<compile_context>
chip_gen: v7x
topology: tpu7x:2x2x1
jax: 0.10.2.dev20260603
libtpu: 0.0.44.dev20260713+nightly
codegen_flags: <defaults>
</compile_context>

<pallas_src>
import functools

import jax
import jax.numpy as jnp
from jax import lax
from jax.experimental import pallas as pl
from jax.experimental.pallas import tpu as pltpu
from jax.experimental.pallas import tpu_sc as plsc

_EPS = 1e-07
_W = 64
_S = 100
_NW = 32
_F = 512
_BPW = _F // _NW
_NV = _BPW // 16
_LN2 = 0.6931471805599453


def _prep_body(bw_ref, mw_ref, dt_ref, aux_ref):
    bw = bw_ref[...]
    p = jax.nn.sigmoid(bw)
    a = jnp.log(p + _EPS)
    c = jnp.log(1.0 - p + _EPS)
    u = 0.5 * jnp.sum(a + c, axis=1)
    mw = mw_ref[0, :]
    mixp = jnp.exp(mw - jnp.max(mw))
    mixp = mixp / jnp.sum(mixp)
    umax = jnp.max(u)
    coef = mixp * jnp.exp(u - umax)
    dt_ref[...] = 0.5 * (a - c).T
    aux_ref[0:_W] = coef
    aux_ref[_W:2 * _W] = jnp.full((_W,), umax, jnp.float32)


def _bcast_lane(v, idx):
    return v.at[idx].get(mode=lax.GatherScatterMode.PROMISE_IN_BOUNDS)


def _log16(x):
    xi = lax.bitcast_convert_type(x, jnp.int32)
    e = lax.shift_right_logical(xi, 23) - 127
    m = lax.bitcast_convert_type((xi & 0x007FFFFF) | 0x3F800000,
                                 jnp.float32)
    big = m > (4.0 / 3.0)
    m = jnp.where(big, 0.5 * m, m)
    e = e + jnp.where(big, 1, 0)
    z = m - 1.0
    pz = jnp.float32(-0.125)
    for kk in (7, 6, 5, 4, 3, 2):
        pz = pz * z + ((1.0 / kk) if kk % 2 else (-1.0 / kk))
    pz = z * (1.0 + z * pz)
    return e.astype(jnp.float32) * _LN2 + pz


def _sc_body(st_hbm, dt_hbm, aux_hbm, out_hbm, st_v, dt_v, aux_v, out_v):
    wid = lax.axis_index("s") * 2 + lax.axis_index("c")
    cb = wid % (_F // 128)
    q = wid // (_F // 128)
    pltpu.sync_copy(st_hbm.at[:, pl.ds(cb * 128, 128)], st_v)
    pltpu.sync_copy(dt_hbm, dt_v)
    pltpu.sync_copy(aux_hbm, aux_v)

    uvec = aux_v[pl.ds(_W, 16)]
    zero = jnp.zeros((16,), jnp.float32)
    lanes16 = lax.iota(jnp.int32, 16)

    def wt_body(wt, esums):
        g16 = (wt // 4) * 16
        lb = (wt % 4) * 4
        idxs = [(lanes16 & 0) + (lb + j) for j in range(4)]
        cf = aux_v[pl.ds(g16, 16)]

        def site_body(ij, accs):
            accs = list(accs)
            dv = dt_v[ij, pl.ds(g16, 16)]
            dbs = [_bcast_lane(dv, idxs[j]) for j in range(4)]
            svs = [st_v[ij, pl.ds(q * _BPW + 16 * v, 16)]
                   for v in range(_NV)]
            for v in range(_NV):
                for j in range(4):
                    accs[v * 4 + j] = accs[v * 4 + j] + dbs[j] * svs[v]
            return tuple(accs)

        accs = lax.fori_loop(0, _S, site_body, (zero,) * (_NV * 4))
        esums = list(esums)
        for j in range(4):
            cfj = _bcast_lane(cf, idxs[j])
            for v in range(_NV):
                t = accs[v * 4 + j]
                esums[v] = esums[v] + cfj * (jnp.exp(t) + jnp.exp(-t))
        return tuple(esums)

    esums = lax.fori_loop(0, _W // 4, wt_body, (zero,) * _NV)
    for v in range(_NV):
        out_v[pl.ds(16 * v, 16)] = _log16(0.5 * esums[v]) + uvec
    pltpu.sync_copy(out_v, out_hbm.at[pl.ds(cb * 128 + q * _BPW, _BPW)])


def _tc_body(st_ref, dt_ref, aux_ref, o_ref):
    t = lax.dot_general(
        st_ref[...], dt_ref[...].astype(jnp.bfloat16),
        (((0,), (0,)), ((), ())),
        preferred_element_type=jnp.float32)
    tt = t[_F:, :]
    coef = aux_ref[0:_W]
    umax = jnp.max(aux_ref[_W:2 * _W])
    e = jnp.exp(tt)
    acc = jnp.sum(coef[None, :] * (e + 1.0 / e), axis=1)
    o_ref[...] = jnp.log(0.5 * acc) + umax


def kernel(sample, ber_weight, mix_weight):
    b = sample.shape[0]
    st = jnp.transpose(sample, (1, 2, 3, 0)).reshape(_S, b)
    bw2 = ber_weight.reshape(_W, _S)
    mw2 = mix_weight.reshape(1, _W)

    dt, aux = pl.pallas_call(
        _prep_body,
        out_shape=(jax.ShapeDtypeStruct((_S, _W), jnp.float32),
                   jax.ShapeDtypeStruct((2 * _W,), jnp.float32)),
    )(bw2, mw2)

    sc_main = functools.partial(
        pl.kernel,
        out_type=jax.ShapeDtypeStruct((_F,), jnp.float32),
        mesh=plsc.VectorSubcoreMesh(core_axis_name="c", subcore_axis_name="s"),
        compiler_params=pltpu.CompilerParams(use_tc_tiling_on_sc=False),
        scratch_types=[
            pltpu.VMEM((_S, 128), jnp.float32),
            pltpu.VMEM((_S, _W), jnp.float32),
            pltpu.VMEM((2 * _W,), jnp.float32),
            pltpu.VMEM((_BPW,), jnp.float32),
        ],
    )(_sc_body)
    sc_out = sc_main(st, dt, aux)

    tc_out = pl.pallas_call(
        _tc_body,
        out_shape=jax.ShapeDtypeStruct((b - _F,), jnp.float32),
    )(st.astype(jnp.bfloat16), dt, aux)
    return jnp.concatenate([sc_out, tc_out])

# --- scband reference (transcript-rebuilt; emitter-appended) ---
"""Pipeline reference for scband-bernoulli-mixture-56057913147869 (READ-ONLY COPY).

The authoritative reference and input builder live on the scoring server;
editing this copy changes nothing except your own understanding.
"""

import jax, jax.numpy as jnp
import numpy as np

L = 10
NET_WIDTH = 64
EPS = 1e-07
Z2 = True
BATCH = 4096


def setup_inputs(seed: int = 0) -> dict:
    key = jax.random.key(seed)
    k1, k2 = jax.random.split(key)
    # spins in {-1, +1} (binarized; torch code feeds bernoulli samples *2 - 1)
    bits = jax.random.bernoulli(k1, 0.5, (BATCH, 1, L, L))
    sample = bits.astype(jnp.float32) * 2.0 - 1.0
    # learned params: ber_weight ~ U[0,1) per torch.rand init, mix_weight zeros
    ber_weight = jax.random.uniform(k2, (NET_WIDTH, L, L), dtype=jnp.float32)
    mix_weight = jnp.zeros((NET_WIDTH,), dtype=jnp.float32)
    return {"sample": sample, "ber_weight": ber_weight, "mix_weight": mix_weight}


def _log_prob_single(sample, ber_weight, mix_weight):
    ber_prob = jax.nn.sigmoid(ber_weight)
    ber_prob = ber_prob[None, :, None, :, :]              # [1, W, 1, L, L]
    mask = (sample + 1.0) / 2.0                            # [B, 1, L, L] in {0,1}
    mask = mask[:, None, :, :, :]                          # [B, 1, 1, L, L]
    sample_prob = ber_prob * mask + (1.0 - ber_prob) * (1.0 - mask)
    log_prob = jnp.log(sample_prob + EPS)                  # [B, W, 1, L, L]
    log_prob = log_prob.reshape(sample.shape[0], NET_WIDTH, -1)
    log_prob = jnp.sum(log_prob, axis=2)                   # [B, W]
    mix_prob = jnp.exp(mix_weight)
    mix_prob = mix_prob / jnp.sum(mix_prob)
    log_prob = jnp.log(jnp.exp(log_prob) @ mix_prob)       # [B]
    return log_prob


def reference(sample, ber_weight, mix_weight):
    log_prob = _log_prob_single(sample, ber_weight, mix_weight)
    if Z2:
        sample_inv = -sample
        log_prob_inv = _log_prob_single(sample_inv, ber_weight, mix_weight)
        log_prob = jax.scipy.special.logsumexp(jnp.stack([log_prob, log_prob_inv]), axis=0)
        log_prob = log_prob - jnp.log(2.0)
    return log_prob

if __name__ == "__main__":
    import jax
    _d = setup_inputs()
    print(jax.jit(kernel)(*tuple(_d.values())))

</pallas_src>

<mosaic_0001>
#map = affine_map<(d0, d1) -> (0, 0)>
#map1 = affine_map<(d0, d1) -> (0)>
module attributes {stable_mosaic.version = 14 : i64} {
  func.func @_sc_body(%arg0: i32, %arg1: i32, %arg2: memref<100x4096xf32, #tpu.memory_space<hbm>>, %arg3: memref<100x64xf32, #tpu.memory_space<hbm>>, %arg4: memref<128xf32, #tpu.memory_space<hbm>>, %arg5: memref<512xf32, #tpu.memory_space<hbm>>, %arg6: memref<100x128xf32, #tpu.memory_space<vmem>>, %arg7: memref<100x64xf32, #tpu.memory_space<vmem>>, %arg8: memref<128xf32, #tpu.memory_space<vmem>>, %arg9: memref<16xf32, #tpu.memory_space<vmem>>) attributes {dimension_semantics = [#tpu.dimension_semantics<core_parallel>, #tpu.dimension_semantics<subcore_parallel>], iteration_bounds = array<i64: 2, 16>, scalar_prefetch = 0 : i64, scratch_operands = 4 : i64, tpu.core_type = #tpu.core_type<sc_vector_subcore>, window_params = [{transform_indices = #map}, {transform_indices = #map}, {transform_indices = #map1}, {transform_indices = #map1}]} {
    %mul3A = arith.constant 2 : i32
    %mul3A_0 = arith.muli %arg1, %mul3A : i32
    %add3A = arith.addi %mul3A_0, %arg0 : i32
    %jit3A = arith.constant 4 : i32
    %eq3A = arith.constant 0 : i32
    %eq3A_1 = arith.cmpi eq, %jit3A, %eq3A : i32
    %jit3A_2 = arith.constant 1 : i32
    %select_n3A = arith.select %eq3A_1, %jit3A_2, %jit3A : i32
    %rem3A = arith.remsi %add3A, %select_n3A : i32
    %ne3A = arith.constant 0 : i32
    %ne3A_3 = arith.cmpi ne, %rem3A, %ne3A : i32
    %lt3A = arith.constant 0 : i32
    %lt3A_4 = arith.cmpi slt, %rem3A, %lt3A : i32
    %lt3A_5 = arith.constant 0 : i32
    %lt3A_6 = arith.cmpi slt, %select_n3A, %lt3A_5 : i32
    %ne3A_7 = arith.xori %lt3A_4, %lt3A_6 : i1
    %and3A = arith.andi %ne3A_7, %ne3A_3 : i1
    %add3A_8 = arith.addi %rem3A, %select_n3A : i32
    %select_n3A_9 = arith.select %and3A, %add3A_8, %rem3A : i32
    %jit3A_10 = arith.constant 4 : i32
    %div3A = arith.divsi %add3A, %jit3A_10 : i32
    %sign3A = arith.constant 0 : i32
    %sign3A_11 = arith.cmpi sgt, %add3A, %sign3A : i32
    %sign3A_12 = arith.extui %sign3A_11 : i1 to i32
    %sign3A_13 = arith.constant 0 : i32
    %sign3A_14 = arith.cmpi slt, %add3A, %sign3A_13 : i32
    %sign3A_15 = arith.extui %sign3A_14 : i1 to i32
    %sign3A_16 = arith.subi %sign3A_12, %sign3A_15 : i32
    %sign3A_17 = arith.constant 0 : i32
    %sign3A_18 = arith.cmpi sgt, %jit3A_10, %sign3A_17 : i32
    %sign3A_19 = arith.extui %sign3A_18 : i1 to i32
    %sign3A_20 = arith.constant 0 : i32
    %sign3A_21 = arith.cmpi slt, %jit3A_10, %sign3A_20 : i32
    %sign3A_22 = arith.extui %sign3A_21 : i1 to i32
    %sign3A_23 = arith.subi %sign3A_19, %sign3A_22 : i32
    %ne3A_24 = arith.cmpi ne, %sign3A_16, %sign3A_23 : i32
    %rem3A_25 = arith.remsi %add3A, %jit3A_10 : i32
    %ne3A_26 = arith.constant 0 : i32
    %ne3A_27 = arith.cmpi ne, %rem3A_25, %ne3A_26 : i32
    %and3A_28 = arith.andi %ne3A_24, %ne3A_27 : i1
    %sub3A = arith.constant 1 : i32
    %sub3A_29 = arith.subi %div3A, %sub3A : i32
    %select_n3A_30 = arith.select %and3A_28, %sub3A_29, %div3A : i32
    %mul3A_31 = arith.constant 128 : i32
    %mul3A_32 = arith.muli %select_n3A_9, %mul3A_31 : i32
    "tpu.region"() ({
      %run_scoped3A = tpu.sem_alloc : memref<!tpu.dma_semaphore, #tpu.memory_space<semaphore_mem>>
      %dma_start3A = arith.constant 0 : i32
      %dma_start3A_114 = tpu.memref_slice %arg2[%dma_start3A, %mul3A_32] : memref<100x4096xf32, #tpu.memory_space<hbm>> -> memref<100x128xf32, #tpu.memory_space<hbm>>
      %dma_start3A_115 = arith.constant 0 : i32
      %dma_start3A_116 = tpu.memref_slice %arg2[%dma_start3A_115, %mul3A_32] : memref<100x4096xf32, #tpu.memory_space<hbm>> -> memref<100x128xf32, #tpu.memory_space<hbm>>
      tpu.enqueue_dma source(%dma_start3A_116 : memref<100x128xf32, #tpu.memory_space<hbm>>) target(%arg6 : memref<100x128xf32, #tpu.memory_space<vmem>>) target_semaphore(%run_scoped3A : memref<!tpu.dma_semaphore, #tpu.memory_space<semaphore_mem>>)
      %dma_wait3A = arith.constant 0 : i32
      %dma_wait3A_117 = tpu.memref_slice %arg2[%dma_wait3A, %mul3A_32] : memref<100x4096xf32, #tpu.memory_space<hbm>> -> memref<100x128xf32, #tpu.memory_space<hbm>>
      %dma_wait3A_118 = arith.constant 0 : i32
      %dma_wait3A_119 = tpu.memref_slice %arg2[%dma_wait3A_118, %mul3A_32] : memref<100x4096xf32, #tpu.memory_space<hbm>> -> memref<100x128xf32, #tpu.memory_space<hbm>>
      tpu.wait_dma2 semaphore(%run_scoped3A : memref<!tpu.dma_semaphore, #tpu.memory_space<semaphore_mem>>) src(%dma_wait3A_119 : memref<100x128xf32, #tpu.memory_space<hbm>>) dst(%arg6 : memref<100x128xf32, #tpu.memory_space<vmem>>)
      tpu.yield
    }) : () -> ()
    "tpu.region"() ({
      %run_scoped3A = tpu.sem_alloc : memref<!tpu.dma_semaphore, #tpu.memory_space<semaphore_mem>>
      tpu.enqueue_dma source(%arg3 : memref<100x64xf32, #tpu.memory_space<hbm>>) target(%arg7 : memref<100x64xf32, #tpu.memory_space<vmem>>) target_semaphore(%run_scoped3A : memref<!tpu.dma_semaphore, #tpu.memory_space<semaphore_mem>>)
      tpu.wait_dma2 semaphore(%run_scoped3A : memref<!tpu.dma_semaphore, #tpu.memory_space<semaphore_mem>>) src(%arg3 : memref<100x64xf32, #tpu.memory_space<hbm>>) dst(%arg7 : memref<100x64xf32, #tpu.memory_space<vmem>>)
      tpu.yield
    }) : () -> ()
    "tpu.region"() ({
      %run_scoped3A = tpu.sem_alloc : memref<!tpu.dma_semaphore, #tpu.memory_space<semaphore_mem>>
      tpu.enqueue_dma source(%arg4 : memref<128xf32, #tpu.memory_space<hbm>>) target(%arg8 : memref<128xf32, #tpu.memory_space<vmem>>) target_semaphore(%run_scoped3A : memref<!tpu.dma_semaphore, #tpu.memory_space<semaphore_mem>>)
      tpu.wait_dma2 semaphore(%run_scoped3A : memref<!tpu.dma_semaphore, #tpu.memory_space<semaphore_mem>>) src(%arg4 : memref<128xf32, #tpu.memory_space<hbm>>) dst(%arg8 : memref<128xf32, #tpu.memory_space<vmem>>)
      tpu.yield
    }) : () -> ()
    %get3A = arith.constant 64 : index
    %get3A_33 = tpu.vector_load %arg8[%get3A] {strides = array<i32>} : memref<128xf32, #tpu.memory_space<vmem>>, vector<16xf32>,
    %get3A_34 = vector.shape_cast %get3A_33 : vector<16xf32> to vector<16xf32>
    %broadcast_in_dim3A = arith.constant 0.000000e+00 : f32
    %broadcast_in_dim3A_35 = vector.broadcast %broadcast_in_dim3A : f32 to vector<16xf32>
    %iota3A = tpu.iota {dimensions = array<i32: 0>} : vector<16xi32>
    %scan3A = arith.constant 0 : i32
    %scan3A_36 = arith.constant 16 : i32
    %scan3A_37 = arith.addi %scan3A, %scan3A_36 : i32
    %scan3A_38 = arith.constant 1 : i32
    %scan3A_39 = scf.for %scan3A_114 = %scan3A to %scan3A_37 step %scan3A_38 iter_args(%scan3A_115 = %broadcast_in_dim3A_35) -> (vector<16xf32>)  : i32 {
      %jit3A_116 = arith.constant 4 : i32
      %div3A_117 = arith.divsi %scan3A_114, %jit3A_116 : i32
      %sign3A_118 = arith.constant 0 : i32
      %sign3A_119 = arith.cmpi sgt, %scan3A_114, %sign3A_118 : i32
      %sign3A_120 = arith.extui %sign3A_119 : i1 to i32
      %sign3A_121 = arith.constant 0 : i32
      %sign3A_122 = arith.cmpi slt, %scan3A_114, %sign3A_121 : i32
      %sign3A_123 = arith.extui %sign3A_122 : i1 to i32
      %sign3A_124 = arith.subi %sign3A_120, %sign3A_123 : i32
      %sign3A_125 = arith.constant 0 : i32
      %sign3A_126 = arith.cmpi sgt, %jit3A_116, %sign3A_125 : i32
      %sign3A_127 = arith.extui %sign3A_126 : i1 to i32
      %sign3A_128 = arith.constant 0 : i32
      %sign3A_129 = arith.cmpi slt, %jit3A_116, %sign3A_128 : i32
      %sign3A_130 = arith.extui %sign3A_129 : i1 to i32
      %sign3A_131 = arith.subi %sign3A_127, %sign3A_130 : i32
      %ne3A_132 = arith.cmpi ne, %sign3A_124, %sign3A_131 : i32
      %rem3A_133 = arith.remsi %scan3A_114, %jit3A_116 : i32
      %ne3A_134 = arith.constant 0 : i32
      %ne3A_135 = arith.cmpi ne, %rem3A_133, %ne3A_134 : i32
      %and3A_136 = arith.andi %ne3A_132, %ne3A_135 : i1
      %sub3A_137 = arith.constant 1 : i32
      %sub3A_138 = arith.subi %div3A_117, %sub3A_137 : i32
      %select_n3A_139 = arith.select %and3A_136, %sub3A_138, %div3A_117 : i32
      %mul3A_140 = arith.constant 16 : i32
      %mul3A_141 = arith.muli %select_n3A_139, %mul3A_140 : i32
      %jit3A_142 = arith.constant 4 : i32
      %eq3A_143 = arith.constant 0 : i32
      %eq3A_144 = arith.cmpi eq, %jit3A_142, %eq3A_143 : i32
      %jit3A_145 = arith.constant 1 : i32
      %select_n3A_146 = arith.select %eq3A_144, %jit3A_145, %jit3A_142 : i32
      %rem3A_147 = arith.remsi %scan3A_114, %select_n3A_146 : i32
      %ne3A_148 = arith.constant 0 : i32
      %ne3A_149 = arith.cmpi ne, %rem3A_147, %ne3A_148 : i32
      %lt3A_150 = arith.constant 0 : i32
      %lt3A_151 = arith.cmpi slt, %rem3A_147, %lt3A_150 : i32
      %lt3A_152 = arith.constant 0 : i32
      %lt3A_153 = arith.cmpi slt, %select_n3A_146, %lt3A_152 : i32
      %ne3A_154 = arith.xori %lt3A_151, %lt3A_153 : i1
      %and3A_155 = arith.andi %ne3A_154, %ne3A_149 : i1
      %add3A_156 = arith.addi %rem3A_147, %select_n3A_146 : i32
      %select_n3A_157 = arith.select %and3A_155, %add3A_156, %rem3A_147 : i32
      %mul3A_158 = arith.constant 4 : i32
      %mul3A_159 = arith.muli %select_n3A_157, %mul3A_158 : i32
      %and3A_160 = arith.constant 0 : i32
      %and3A_161 = vector.broadcast %and3A_160 : i32 to vector<16xi32>
      %and3A_162 = arith.andi %iota3A, %and3A_161 : vector<16xi32>
      %add3A_163 = arith.constant 0 : i32
      %add3A_164 = arith.addi %mul3A_159, %add3A_163 : i32
      %add3A_165 = vector.broadcast %add3A_164 : i32 to vector<16xi32>
      %add3A_166 = arith.addi %and3A_162, %add3A_165 : vector<16xi32>
      %and3A_167 = arith.constant 0 : i32
      %and3A_168 = vector.broadcast %and3A_167 : i32 to vector<16xi32>
      %and3A_169 = arith.andi %iota3A, %and3A_168 : vector<16xi32>
      %add3A_170 = arith.constant 1 : i32
      %add3A_171 = arith.addi %mul3A_159, %add3A_170 : i32
      %add3A_172 = vector.broadcast %add3A_171 : i32 to vector<16xi32>
      %add3A_173 = arith.addi %and3A_169, %add3A_172 : vector<16xi32>
      %and3A_174 = arith.constant 0 : i32
      %and3A_175 = vector.broadcast %and3A_174 : i32 to vector<16xi32>
      %and3A_176 = arith.andi %iota3A, %and3A_175 : vector<16xi32>
      %add3A_177 = arith.constant 2 : i32
      %add3A_178 = arith.addi %mul3A_159, %add3A_177 : i32
      %add3A_179 = vector.broadcast %add3A_178 : i32 to vector<16xi32>
      %add3A_180 = arith.addi %and3A_176, %add3A_179 : vector<16xi32>
      %and3A_181 = arith.constant 0 : i32
      %and3A_182 = vector.broadcast %and3A_181 : i32 to vector<16xi32>
      %and3A_183 = arith.andi %iota3A, %and3A_182 : vector<16xi32>
      %add3A_184 = arith.constant 3 : i32
      %add3A_185 = arith.addi %mul3A_159, %add3A_184 : i32
      %add3A_186 = vector.broadcast %add3A_185 : i32 to vector<16xi32>
      %add3A_187 = arith.addi %and3A_183, %add3A_186 : vector<16xi32>
      %get3A_188 = arith.index_cast %mul3A_141 : i32 to index
      %get3A_189 = tpu.vector_load %arg8[%get3A_188] {strides = array<i32>} : memref<128xf32, #tpu.memory_space<vmem>>, vector<16xf32>,
      %get3A_190 = vector.shape_cast %get3A_189 : vector<16xf32> to vector<16xf32>
      %scan3A_191 = arith.constant 0 : i32
      %scan3A_192 = arith.constant 100 : i32
      %scan3A_193 = arith.addi %scan3A_191, %scan3A_192 : i32
      %scan3A_194 = arith.constant 1 : i32
      %scan3A_195:4 = scf.for %scan3A_266 = %scan3A_191 to %scan3A_193 step %scan3A_194 iter_args(%scan3A_267 = %broadcast_in_dim3A_35, %scan3A_268 = %broadcast_in_dim3A_35, %scan3A_269 = %broadcast_in_dim3A_35, %scan3A_270 = %broadcast_in_dim3A_35) -> (vector<16xf32>, vector<16xf32>, vector<16xf32>, vector<16xf32>)  : i32 {
        %get3A_271 = arith.index_cast %scan3A_266 : i32 to index
        %get3A_272 = arith.index_cast %mul3A_141 : i32 to index
        %get3A_273 = tpu.vector_load %arg7[%get3A_271, %get3A_272] {strides = array<i32>} : memref<100x64xf32, #tpu.memory_space<vmem>>, vector<1x16xf32>,
        %get3A_274 = vector.shape_cast %get3A_273 : vector<1x16xf32> to vector<16xf32>
        %lt3A_275 = arith.constant 0 : i32
        %lt3A_276 = vector.broadcast %lt3A_275 : i32 to vector<16xi32>
        %lt3A_277 = arith.cmpi slt, %add3A_166, %lt3A_276 : vector<16xi32>
        %add3A_278 = arith.constant 16 : i32
        %add3A_279 = vector.broadcast %add3A_278 : i32 to vector<16xi32>
        %add3A_280 = arith.addi %add3A_166, %add3A_279 : vector<16xi32>
        %select_n3A_281 = arith.select %lt3A_277, %add3A_280, %add3A_166 : vector<16xi1>, vector<16xi32>
        %broadcast_in_dim3A_282 = vector.shape_cast %select_n3A_281 : vector<16xi32> to vector<16x1xi32>
        %gather3A_283 = vector.shape_cast %broadcast_in_dim3A_282 : vector<16x1xi32> to vector<16xi32>
        %gather3A_284 = tpu.dynamic_gather %get3A_274[%gather3A_283] in [0] : vector<16xf32>, vector<16xi32> -> vector<16xf32>
        %lt3A_285 = arith.constant 0 : i32
        %lt3A_286 = vector.broadcast %lt3A_285 : i32 to vector<16xi32>
        %lt3A_287 = arith.cmpi slt, %add3A_173, %lt3A_286 : vector<16xi32>
        %add3A_288 = arith.constant 16 : i32
        %add3A_289 = vector.broadcast %add3A_288 : i32 to vector<16xi32>
        %add3A_290 = arith.addi %add3A_173, %add3A_289 : vector<16xi32>
        %select_n3A_291 = arith.select %lt3A_287, %add3A_290, %add3A_173 : vector<16xi1>, vector<16xi32>
        %broadcast_in_dim3A_292 = vector.shape_cast %select_n3A_291 : vector<16xi32> to vector<16x1xi32>
        %gather3A_293 = vector.shape_cast %broadcast_in_dim3A_292 : vector<16x1xi32> to vector<16xi32>
        %gather3A_294 = tpu.dynamic_gather %get3A_274[%gather3A_293] in [0] : vector<16xf32>, vector<16xi32> -> vector<16xf32>
        %lt3A_295 = arith.constant 0 : i32
        %lt3A_296 = vector.broadcast %lt3A_295 : i32 to vector<16xi32>
        %lt3A_297 = arith.cmpi slt, %add3A_180, %lt3A_296 : vector<16xi32>
        %add3A_298 = arith.constant 16 : i32
        %add3A_299 = vector.broadcast %add3A_298 : i32 to vector<16xi32>
        %add3A_300 = arith.addi %add3A_180, %add3A_299 : vector<16xi32>
        %select_n3A_301 = arith.select %lt3A_297, %add3A_300, %add3A_180 : vector<16xi1>, vector<16xi32>
        %broadcast_in_dim3A_302 = vector.shape_cast %select_n3A_301 : vector<16xi32> to vector<16x1xi32>
        %gather3A_303 = vector.shape_cast %broadcast_in_dim3A_302 : vector<16x1xi32> to vector<16xi32>
        %gather3A_304 = tpu.dynamic_gather %get3A_274[%gather3A_303] in [0] : vector<16xf32>, vector<16xi32> -> vector<16xf32>
        %lt3A_305 = arith.constant 0 : i32
        %lt3A_306 = vector.broadcast %lt3A_305 : i32 to vector<16xi32>
        %lt3A_307 = arith.cmpi slt, %add3A_187, %lt3A_306 : vector<16xi32>
        %add3A_308 = arith.constant 16 : i32
        %add3A_309 = vector.broadcast %add3A_308 : i32 to vector<16xi32>
        %add3A_310 = arith.addi %add3A_187, %add3A_309 : vector<16xi32>
        %select_n3A_311 = arith.select %lt3A_307, %add3A_310, %add3A_187 : vector<16xi1>, vector<16xi32>
        %broadcast_in_dim3A_312 = vector.shape_cast %select_n3A_311 : vector<16xi32> to vector<16x1xi32>
        %gather3A_313 = vector.shape_cast %broadcast_in_dim3A_312 : vector<16x1xi32> to vector<16xi32>
        %gather3A_314 = tpu.dynamic_gather %get3A_274[%gather3A_313] in [0] : vector<16xf32>, vector<16xi32> -> vector<16xf32>
        %mul3A_315 = arith.constant 16 : i32
        %mul3A_316 = arith.muli %select_n3A_30, %mul3A_315 : i32
        %add3A_317 = arith.constant 0 : i32
        %add3A_318 = arith.addi %mul3A_316, %add3A_317 : i32
        %get3A_319 = arith.index_cast %scan3A_266 : i32 to index
        %get3A_320 = arith.index_cast %add3A_318 : i32 to index
        %get3A_321 = tpu.vector_load %arg6[%get3A_319, %get3A_320] {strides = array<i32>} : memref<100x128xf32, #tpu.memory_space<vmem>>, vector<1x16xf32>,
        %get3A_322 = vector.shape_cast %get3A_321 : vector<1x16xf32> to vector<16xf32>
        %mul3A_323 = arith.mulf %gather3A_284, %get3A_322 : vector<16xf32>
        %add3A_324 = arith.addf %scan3A_267, %mul3A_323 : vector<16xf32>
        %mul3A_325 = arith.mulf %gather3A_294, %get3A_322 : vector<16xf32>
        %add3A_326 = arith.addf %scan3A_268, %mul3A_325 : vector<16xf32>
        %mul3A_327 = arith.mulf %gather3A_304, %get3A_322 : vector<16xf32>
        %add3A_328 = arith.addf %scan3A_269, %mul3A_327 : vector<16xf32>
        %mul3A_329 = arith.mulf %gather3A_314, %get3A_322 : vector<16xf32>
        %add3A_330 = arith.addf %scan3A_270, %mul3A_329 : vector<16xf32>
        scf.yield %add3A_324, %add3A_326, %add3A_328, %add3A_330 : vector<16xf32>, vector<16xf32>, vector<16xf32>, vector<16xf32>
      }
      %scan3A_196 = arith.constant 100 : i32
      %lt3A_197 = arith.constant 0 : i32
      %lt3A_198 = vector.broadcast %lt3A_197 : i32 to vector<16xi32>
      %lt3A_199 = arith.cmpi slt, %add3A_166, %lt3A_198 : vector<16xi32>
      %add3A_200 = arith.constant 16 : i32
      %add3A_201 = vector.broadcast %add3A_200 : i32 to vector<16xi32>
      %add3A_202 = arith.addi %add3A_166, %add3A_201 : vector<16xi32>
      %select_n3A_203 = arith.select %lt3A_199, %add3A_202, %add3A_166 : vector<16xi1>, vector<16xi32>
      %broadcast_in_dim3A_204 = vector.shape_cast %select_n3A_203 : vector<16xi32> to vector<16x1xi32>
      %gather3A = vector.shape_cast %broadcast_in_dim3A_204 : vector<16x1xi32> to vector<16xi32>
      %gather3A_205 = tpu.dynamic_gather %get3A_190[%gather3A] in [0] : vector<16xf32>, vector<16xi32> -> vector<16xf32>
      %exp3A = math.exp %scan3A_195#0 : vector<16xf32>
      %neg3A = arith.constant 0.000000e+00 : f32
      %neg3A_206 = vector.broadcast %neg3A : f32 to vector<16xf32>
      %neg3A_207 = arith.subf %neg3A_206, %scan3A_195#0 : vector<16xf32>
      %exp3A_208 = math.exp %neg3A_207 : vector<16xf32>
      %add3A_209 = arith.addf %exp3A, %exp3A_208 : vector<16xf32>
      %mul3A_210 = arith.mulf %gather3A_205, %add3A_209 : vector<16xf32>
      %add3A_211 = arith.addf %scan3A_115, %mul3A_210 : vector<16xf32>
      %lt3A_212 = arith.constant 0 : i32
      %lt3A_213 = vector.broadcast %lt3A_212 : i32 to vector<16xi32>
      %lt3A_214 = arith.cmpi slt, %add3A_173, %lt3A_213 : vector<16xi32>
      %add3A_215 = arith.constant 16 : i32
      %add3A_216 = vector.broadcast %add3A_215 : i32 to vector<16xi32>
      %add3A_217 = arith.addi %add3A_173, %add3A_216 : vector<16xi32>
      %select_n3A_218 = arith.select %lt3A_214, %add3A_217, %add3A_173 : vector<16xi1>, vector<16xi32>
      %broadcast_in_dim3A_219 = vector.shape_cast %select_n3A_218 : vector<16xi32> to vector<16x1xi32>
      %gather3A_220 = vector.shape_cast %broadcast_in_dim3A_219 : vector<16x1xi32> to vector<16xi32>
      %gather3A_221 = tpu.dynamic_gather %get3A_190[%gather3A_220] in [0] : vector<16xf32>, vector<16xi32> -> vector<16xf32>
      %exp3A_222 = math.exp %scan3A_195#1 : vector<16xf32>
      %neg3A_223 = arith.constant 0.000000e+00 : f32
      %neg3A_224 = vector.broadcast %neg3A_223 : f32 to vector<16xf32>
      %neg3A_225 = arith.subf %neg3A_224, %scan3A_195#1 : vector<16xf32>
      %exp3A_226 = math.exp %neg3A_225 : vector<16xf32>
      %add3A_227 = arith.addf %exp3A_222, %exp3A_226 : vector<16xf32>
      %mul3A_228 = arith.mulf %gather3A_221, %add3A_227 : vector<16xf32>
      %add3A_229 = arith.addf %add3A_211, %mul3A_228 : vector<16xf32>
      %lt3A_230 = arith.constant 0 : i32
      %lt3A_231 = vector.broadcast %lt3A_230 : i32 to vector<16xi32>
      %lt3A_232 = arith.cmpi slt, %add3A_180, %lt3A_231 : vector<16xi32>
      %add3A_233 = arith.constant 16 : i32
      %add3A_234 = vector.broadcast %add3A_233 : i32 to vector<16xi32>
      %add3A_235 = arith.addi %add3A_180, %add3A_234 : vector<16xi32>
      %select_n3A_236 = arith.select %lt3A_232, %add3A_235, %add3A_180 : vector<16xi1>, vector<16xi32>
      %broadcast_in_dim3A_237 = vector.shape_cast %select_n3A_236 : vector<16xi32> to vector<16x1xi32>
      %gather3A_238 = vector.shape_cast %broadcast_in_dim3A_237 : vector<16x1xi32> to vector<16xi32>
      %gather3A_239 = tpu.dynamic_gather %get3A_190[%gather3A_238] in [0] : vector<16xf32>, vector<16xi32> -> vector<16xf32>
      %exp3A_240 = math.exp %scan3A_195#2 : vector<16xf32>
      %neg3A_241 = arith.constant 0.000000e+00 : f32
      %neg3A_242 = vector.broadcast %neg3A_241 : f32 to vector<16xf32>
      %neg3A_243 = arith.subf %neg3A_242, %scan3A_195#2 : vector<16xf32>
      %exp3A_244 = math.exp %neg3A_243 : vector<16xf32>
      %add3A_245 = arith.addf %exp3A_240, %exp3A_244 : vector<16xf32>
      %mul3A_246 = arith.mulf %gather3A_239, %add3A_245 : vector<16xf32>
      %add3A_247 = arith.addf %add3A_229, %mul3A_246 : vector<16xf32>
      %lt3A_248 = arith.constant 0 : i32
      %lt3A_249 = vector.broadcast %lt3A_248 : i32 to vector<16xi32>
      %lt3A_250 = arith.cmpi slt, %add3A_187, %lt3A_249 : vector<16xi32>
      %add3A_251 = arith.constant 16 : i32
      %add3A_252 = vector.broadcast %add3A_251 : i32 to vector<16xi32>
      %add3A_253 = arith.addi %add3A_187, %add3A_252 : vector<16xi32>
      %select_n3A_254 = arith.select %lt3A_250, %add3A_253, %add3A_187 : vector<16xi1>, vector<16xi32>
      %broadcast_in_dim3A_255 = vector.shape_cast %select_n3A_254 : vector<16xi32> to vector<16x1xi32>
      %gather3A_256 = vector.shape_cast %broadcast_in_dim3A_255 : vector<16x1xi32> to vector<16xi32>
      %gather3A_257 = tpu.dynamic_gather %get3A_190[%gather3A_256] in [0] : vector<16xf32>, vector<16xi32> -> vector<16xf32>
      %exp3A_258 = math.exp %scan3A_195#3 : vector<16xf32>
      %neg3A_259 = arith.constant 0.000000e+00 : f32
      %neg3A_260 = vector.broadcast %neg3A_259 : f32 to vector<16xf32>
      %neg3A_261 = arith.subf %neg3A_260, %scan3A_195#3 : vector<16xf32>
      %exp3A_262 = math.exp %neg3A_261 : vector<16xf32>
      %add3A_263 = arith.addf %exp3A_258, %exp3A_262 : vector<16xf32>
      %mul3A_264 = arith.mulf %gather3A_257, %add3A_263 : vector<16xf32>
      %add3A_265 = arith.addf %add3A_247, %mul3A_264 : vector<16xf32>
      scf.yield %add3A_265 : vector<16xf32>
    }
    %scan3A_40 = arith.constant 16 : i32
    %mul3A_41 = arith.constant 5.000000e-01 : f32
    %mul3A_42 = vector.broadcast %mul3A_41 : f32 to vector<16xf32>
    %mul3A_43 = arith.mulf %mul3A_42, %scan3A_39 : vector<16xf32>
    %bitcast_convert_type3A = tpu.bitcast %mul3A_43 : vector<16xf32> -> vector<16xi32>
    %shift_right_logical3A = arith.constant 23 : i32
    %shift_right_logical3A_44 = vector.broadcast %shift_right_logical3A : i32 to vector<16xi32>
    %shift_right_logical3A_45 = arith.shrui %bitcast_convert_type3A, %shift_right_logical3A_44 : vector<16xi32>
    %sub3A_46 = arith.constant 127 : i32
    %sub3A_47 = vector.broadcast %sub3A_46 : i32 to vector<16xi32>
    %sub3A_48 = arith.subi %shift_right_logical3A_45, %sub3A_47 : vector<16xi32>
    %and3A_49 = arith.constant 8388607 : i32
    %and3A_50 = vector.broadcast %and3A_49 : i32 to vector<16xi32>
    %and3A_51 = arith.andi %bitcast_convert_type3A, %and3A_50 : vector<16xi32>
    %or3A = arith.constant 1065353216 : i32
    %or3A_52 = vector.broadcast %or3A : i32 to vector<16xi32>
    %or3A_53 = arith.ori %and3A_51, %or3A_52 : vector<16xi32>
    %bitcast_convert_type3A_54 = tpu.bitcast %or3A_53 : vector<16xi32> -> vector<16xf32>
    %gt3A = arith.constant 1.33333337 : f32
    %gt3A_55 = vector.broadcast %gt3A : f32 to vector<16xf32>
    %gt3A_56 = arith.cmpf ogt, %bitcast_convert_type3A_54, %gt3A_55 : vector<16xf32>
    %mul3A_57 = arith.constant 5.000000e-01 : f32
    %mul3A_58 = vector.broadcast %mul3A_57 : f32 to vector<16xf32>
    %mul3A_59 = arith.mulf %mul3A_58, %bitcast_convert_type3A_54 : vector<16xf32>
    %select_n3A_60 = arith.select %gt3A_56, %mul3A_59, %bitcast_convert_type3A_54 : vector<16xi1>, vector<16xf32>
    %jit3A_61 = arith.constant 1 : i32
    %jit3A_62 = arith.constant 0 : i32
    %broadcast_in_dim3A_63 = vector.broadcast %jit3A_61 : i32 to vector<16xi32>
    %broadcast_in_dim3A_64 = vector.broadcast %jit3A_62 : i32 to vector<16xi32>
    %select_n3A_65 = arith.select %gt3A_56, %broadcast_in_dim3A_63, %broadcast_in_dim3A_64 : vector<16xi1>, vector<16xi32>
    %add3A_66 = arith.addi %sub3A_48, %select_n3A_65 : vector<16xi32>
    %sub3A_67 = arith.constant 1.000000e+00 : f32
    %sub3A_68 = vector.broadcast %sub3A_67 : f32 to vector<16xf32>
    %sub3A_69 = arith.subf %select_n3A_60, %sub3A_68 : vector<16xf32>
    %mul3A_70 = arith.constant -1.250000e-01 : f32
    %mul3A_71 = vector.broadcast %mul3A_70 : f32 to vector<16xf32>
    %mul3A_72 = arith.mulf %mul3A_71, %sub3A_69 : vector<16xf32>
    %add3A_73 = arith.constant 0.142857149 : f32
    %add3A_74 = vector.broadcast %add3A_73 : f32 to vector<16xf32>
    %add3A_75 = arith.addf %mul3A_72, %add3A_74 : vector<16xf32>
    %mul3A_76 = arith.mulf %add3A_75, %sub3A_69 : vector<16xf32>
    %add3A_77 = arith.constant -0.166666672 : f32
    %add3A_78 = vector.broadcast %add3A_77 : f32 to vector<16xf32>
    %add3A_79 = arith.addf %mul3A_76, %add3A_78 : vector<16xf32>
    %mul3A_80 = arith.mulf %add3A_79, %sub3A_69 : vector<16xf32>
    %add3A_81 = arith.constant 2.000000e-01 : f32
    %add3A_82 = vector.broadcast %add3A_81 : f32 to vector<16xf32>
    %add3A_83 = arith.addf %mul3A_80, %add3A_82 : vector<16xf32>
    %mul3A_84 = arith.mulf %add3A_83, %sub3A_69 : vector<16xf32>
    %add3A_85 = arith.constant -2.500000e-01 : f32
    %add3A_86 = vector.broadcast %add3A_85 : f32 to vector<16xf32>
    %add3A_87 = arith.addf %mul3A_84, %add3A_86 : vector<16xf32>
    %mul3A_88 = arith.mulf %add3A_87, %sub3A_69 : vector<16xf32>
    %add3A_89 = arith.constant 0.333333343 : f32
    %add3A_90 = vector.broadcast %add3A_89 : f32 to vector<16xf32>
    %add3A_91 = arith.addf %mul3A_88, %add3A_90 : vector<16xf32>
    %mul3A_92 = arith.mulf %add3A_91, %sub3A_69 : vector<16xf32>
    %add3A_93 = arith.constant -5.000000e-01 : f32
    %add3A_94 = vector.broadcast %add3A_93 : f32 to vector<16xf32>
    %add3A_95 = arith.addf %mul3A_92, %add3A_94 : vector<16xf32>
    %mul3A_96 = arith.mulf %sub3A_69, %add3A_95 : vector<16xf32>
    %add3A_97 = arith.constant 1.000000e+00 : f32
    %add3A_98 = vector.broadcast %add3A_97 : f32 to vector<16xf32>
    %add3A_99 = arith.addf %add3A_98, %mul3A_96 : vector<16xf32>
    %mul3A_100 = arith.mulf %sub3A_69, %add3A_99 : vector<16xf32>
    %convert_element_type3A = arith.sitofp %add3A_66 : vector<16xi32> to vector<16xf32>
    %mul3A_101 = arith.constant 0.693147182 : f32
    %mul3A_102 = vector.broadcast %mul3A_101 : f32 to vector<16xf32>
    %mul3A_103 = arith.mulf %convert_element_type3A, %mul3A_102 : vector<16xf32>
    %add3A_104 = arith.addf %mul3A_103, %mul3A_100 : vector<16xf32>
    %add3A_105 = arith.addf %add3A_104, %get3A_34 : vector<16xf32>
    %swap3A = arith.constant 0 : index
    %swap3A_106 = tpu.vector_load %arg9[%swap3A] {strides = array<i32>} : memref<16xf32, #tpu.memory_space<vmem>>, vector<16xf32>,
    %swap3A_107 = vector.shape_cast %swap3A_106 : vector<16xf32> to vector<16xf32>
    %swap3A_108 = vector.shape_cast %add3A_105 : vector<16xf32> to vector<16xf32>
    tpu.vector_store %arg9[%swap3A], %swap3A_108 {strides = array<i32>} : memref<16xf32, #tpu.memory_space<vmem>>, vector<16xf32>,
    %mul3A_109 = arith.constant 128 : i32
    %mul3A_110 = arith.muli %select_n3A_9, %mul3A_109 : i32
    %mul3A_111 = arith.constant 16 : i32
    %mul3A_112 = arith.muli %select_n3A_30, %mul3A_111 : i32
    %add3A_113 = arith.addi %mul3A_110, %mul3A_112 : i32
    "tpu.region"() ({
      %run_scoped3A = tpu.sem_alloc : memref<!tpu.dma_semaphore, #tpu.memory_space<semaphore_mem>>
      %dma_start3A = tpu.memref_slice %arg5[%add3A_113] : memref<512xf32, #tpu.memory_space<hbm>> -> memref<16xf32, #tpu.memory_space<hbm>>
      %dma_start3A_114 = tpu.memref_slice %arg5[%add3A_113] : memref<512xf32, #tpu.memory_space<hbm>> -> memref<16xf32, #tpu.memory_space<hbm>>
      tpu.enqueue_dma source(%arg9 : memref<16xf32, #tpu.memory_space<vmem>>) target(%dma_start3A_114 : memref<16xf32, #tpu.memory_space<hbm>>) target_semaphore(%run_scoped3A : memref<!tpu.dma_semaphore, #tpu.memory_space<semaphore_mem>>)
      %dma_wait3A = tpu.memref_slice %arg5[%add3A_113] : memref<512xf32, #tpu.memory_space<hbm>> -> memref<16xf32, #tpu.memory_space<hbm>>
      %dma_wait3A_115 = tpu.memref_slice %arg5[%add3A_113] : memref<512xf32, #tpu.memory_space<hbm>> -> memref<16xf32, #tpu.memory_space<hbm>>
      tpu.wait_dma2 semaphore(%run_scoped3A : memref<!tpu.dma_semaphore, #tpu.memory_space<semaphore_mem>>) src(%arg9 : memref<16xf32, #tpu.memory_space<vmem>>) dst(%dma_wait3A_115 : memref<16xf32, #tpu.memory_space<hbm>>)
      tpu.yield
    }) : () -> ()
    return
  }
}

module attributes {stable_mosaic.version = 14 : i64} {
  func.func @_prep_body(%arg0: memref<64x100xf32, #tpu.memory_space<vmem>>, %arg1: memref<1x64xf32, #tpu.memory_space<vmem>>, %arg2: memref<100x64xf32, #tpu.memory_space<vmem>>, %arg3: memref<128xf32, #tpu.memory_space<vmem>>) attributes {dimension_semantics = [], scalar_prefetch = 0 : i64, scratch_operands = 0 : i64, tpu.core_type = #tpu.core_type<tc>} {
    %get3A = arith.constant 0 : index
    %get3A_0 = arith.constant 0 : index
    %get3A_1 = vector.load %arg0[%get3A, %get3A_0] : memref<64x100xf32, #tpu.memory_space<vmem>>, vector<64x100xf32>
    %logistic3A = arith.negf %get3A_1 : vector<64x100xf32>
    %logistic3A_2 = math.exp %logistic3A : vector<64x100xf32>
    %logistic3A_3 = arith.constant 1.000000e+00 : f32
    %logistic3A_4 = vector.broadcast %logistic3A_3 : f32 to vector<64x100xf32>
    %logistic3A_5 = arith.addf %logistic3A_4, %logistic3A_2 : vector<64x100xf32>
    %logistic3A_6 = arith.divf %logistic3A_4, %logistic3A_5 : vector<64x100xf32>
    %add3A = arith.constant 1.000000e-07 : f32
    %add3A_7 = vector.broadcast %add3A : f32 to vector<64x100xf32>
    %add3A_8 = arith.addf %logistic3A_6, %add3A_7 : vector<64x100xf32>
    %log3A = math.log %add3A_8 : vector<64x100xf32>
    %sub3A = arith.constant 1.000000e+00 : f32
    %sub3A_9 = vector.broadcast %sub3A : f32 to vector<64x100xf32>
    %sub3A_10 = arith.subf %sub3A_9, %logistic3A_6 : vector<64x100xf32>
    %add3A_11 = arith.constant 1.000000e-07 : f32
    %add3A_12 = vector.broadcast %add3A_11 : f32 to vector<64x100xf32>
    %add3A_13 = arith.addf %sub3A_10, %add3A_12 : vector<64x100xf32>
    %log3A_14 = math.log %add3A_13 : vector<64x100xf32>
    %add3A_15 = arith.addf %log3A, %log3A_14 : vector<64x100xf32>
    %reduce_sum3A = arith.constant dense<0.000000e+00> : vector<64xf32>
    %reduce_sum3A_16 = vector.multi_reduction <add>, %add3A_15, %reduce_sum3A [1] : vector<64x100xf32> to vector<64xf32>
    %mul3A = arith.constant 5.000000e-01 : f32
    %mul3A_17 = vector.broadcast %mul3A : f32 to vector<64xf32>
    %mul3A_18 = arith.mulf %mul3A_17, %reduce_sum3A_16 : vector<64xf32>
    %get3A_19 = arith.constant 0 : index
    %get3A_20 = arith.constant 0 : index
    %get3A_21 = vector.load %arg1[%get3A_19, %get3A_20] : memref<1x64xf32, #tpu.memory_space<vmem>>, vector<1x64xf32>
    %get3A_22 = vector.shape_cast %get3A_21 : vector<1x64xf32> to vector<64xf32>
    %reduce_max3A = vector.shape_cast %get3A_22 : vector<64xf32> to vector<1x64xf32>
    %reduce_max3A_23 = arith.constant dense<0xFF800000> : vector<1xf32>
    %reduce_max3A_24 = vector.multi_reduction <maximumf>, %reduce_max3A, %reduce_max3A_23 [1] : vector<1x64xf32> to vector<1xf32>
    %reduce_max3A_25 = vector.shape_cast %reduce_max3A_24 : vector<1xf32> to vector<1x1xf32>
    %reduce_max3A_26 = vector.extract %reduce_max3A_25[0, 0] : f32 from vector<1x1xf32>
    %sub3A_27 = vector.broadcast %reduce_max3A_26 : f32 to vector<64xf32>
    %sub3A_28 = arith.subf %get3A_22, %sub3A_27 : vector<64xf32>
    %exp3A = math.exp %sub3A_28 : vector<64xf32>
    %reduce_sum3A_29 = vector.shape_cast %exp3A : vector<64xf32> to vector<1x64xf32>
    %reduce_sum3A_30 = arith.constant dense<0.000000e+00> : vector<1xf32>
    %reduce_sum3A_31 = vector.multi_reduction <add>, %reduce_sum3A_29, %reduce_sum3A_30 [1] : vector<1x64xf32> to vector<1xf32>
    %reduce_sum3A_32 = vector.shape_cast %reduce_sum3A_31 : vector<1xf32> to vector<1x1xf32>
    %reduce_sum3A_33 = vector.extract %reduce_sum3A_32[0, 0] : f32 from vector<1x1xf32>
    %div3A = vector.broadcast %reduce_sum3A_33 : f32 to vector<64xf32>
    %div3A_34 = arith.divf %exp3A, %div3A : vector<64xf32>
    %reduce_max3A_35 = vector.shape_cast %mul3A_18 : vector<64xf32> to vector<1x64xf32>
    %reduce_max3A_36 = arith.constant dense<0xFF800000> : vector<1xf32>
    %reduce_max3A_37 = vector.multi_reduction <maximumf>, %reduce_max3A_35, %reduce_max3A_36 [1] : vector<1x64xf32> to vector<1xf32>
    %reduce_max3A_38 = vector.shape_cast %reduce_max3A_37 : vector<1xf32> to vector<1x1xf32>
    %reduce_max3A_39 = vector.extract %reduce_max3A_38[0, 0] : f32 from vector<1x1xf32>
    %sub3A_40 = vector.broadcast %reduce_max3A_39 : f32 to vector<64xf32>
    %sub3A_41 = arith.subf %mul3A_18, %sub3A_40 : vector<64xf32>
    %exp3A_42 = math.exp %sub3A_41 : vector<64xf32>
    %mul3A_43 = arith.mulf %div3A_34, %exp3A_42 : vector<64xf32>
    %sub3A_44 = arith.subf %log3A, %log3A_14 : vector<64x100xf32>
    %transpose3A = tpu.transpose %sub3A_44, [1, 0] : vector<64x100xf32> -> vector<100x64xf32>
    %mul3A_45 = arith.constant 5.000000e-01 : f32
    %mul3A_46 = vector.broadcast %mul3A_45 : f32 to vector<100x64xf32>
    %mul3A_47 = arith.mulf %mul3A_46, %transpose3A : vector<100x64xf32>
    %swap3A = arith.constant 0 : index
    %swap3A_48 = arith.constant 0 : index
    %swap3A_49 = vector.load %arg2[%swap3A, %swap3A_48] : memref<100x64xf32, #tpu.memory_space<vmem>>, vector<100x64xf32>
    tpu.vector_store %arg2[%swap3A, %swap3A_48], %mul3A_47 {strides = array<i32>} : memref<100x64xf32, #tpu.memory_space<vmem>>, vector<100x64xf32>,
    %swap3A_50 = arith.constant 0 : index
    %swap3A_51 = vector.load %arg3[%swap3A_50] : memref<128xf32, #tpu.memory_space<vmem>>, vector<64xf32>
    tpu.vector_store %arg3[%swap3A_50], %mul3A_43 {strides = array<i32>} : memref<128xf32, #tpu.memory_space<vmem>>, vector<64xf32>,
    %broadcast_in_dim3A = vector.broadcast %reduce_max3A_39 : f32 to vector<64xf32>
    %swap3A_52 = arith.constant 64 : index
    %swap3A_53 = vector.load %arg3[%swap3A_52] : memref<128xf32, #tpu.memory_space<vmem>>, vector<64xf32>
    tpu.vector_store %arg3[%swap3A_52], %broadcast_in_dim3A {strides = array<i32>} : memref<128xf32, #tpu.memory_space<vmem>>, vector<64xf32>,
    return
  }
}

module attributes {stable_mosaic.version = 14 : i64} {
  func.func @_tc_body(%arg0: memref<100x4096xbf16, #tpu.memory_space<vmem>>, %arg1: memref<100x64xf32, #tpu.memory_space<vmem>>, %arg2: memref<128xf32, #tpu.memory_space<vmem>>, %arg3: memref<3584xf32, #tpu.memory_space<vmem>>) attributes {dimension_semantics = [], scalar_prefetch = 0 : i64, scratch_operands = 0 : i64, tpu.core_type = #tpu.core_type<tc>} {
    %get3A = arith.constant 0 : index
    %get3A_0 = arith.constant 0 : index
    %get3A_1 = vector.load %arg0[%get3A, %get3A_0] : memref<100x4096xbf16, #tpu.memory_space<vmem>>, vector<100x4096xbf16>
    %get3A_2 = arith.constant 0 : index
    %get3A_3 = arith.constant 0 : index
    %get3A_4 = vector.load %arg1[%get3A_2, %get3A_3] : memref<100x64xf32, #tpu.memory_space<vmem>>, vector<100x64xf32>
    %convert_element_type3A = arith.truncf %get3A_4 : vector<100x64xf32> to vector<100x64xbf16>
    %dot_general3A = arith.constant dense<0.000000e+00> : vector<4096x64xf32>
    %dot_general3A_5 = tpu.matmul %get3A_1, %convert_element_type3A, %dot_general3A {dimension_numbers = #tpu.dot_dimension_numbers<[0], [0], [1], [1], [0, 1, 1, 1], [], []>, transpose_lhs_hint = false} : vector<100x4096xbf16>, vector<100x64xbf16>, vector<4096x64xf32> -> vector<4096x64xf32>
    %slice3A = vector.extract_strided_slice %dot_general3A_5 {offsets = [512, 0], sizes = [3584, 64], strides = [1, 1]} : vector<4096x64xf32> to vector<3584x64xf32>
    %get3A_6 = arith.constant 0 : index
    %get3A_7 = vector.load %arg2[%get3A_6] : memref<128xf32, #tpu.memory_space<vmem>>, vector<64xf32>
    %get3A_8 = arith.constant 64 : index
    %get3A_9 = vector.load %arg2[%get3A_8] : memref<128xf32, #tpu.memory_space<vmem>>, vector<64xf32>
    %reduce_max3A = vector.shape_cast %get3A_9 : vector<64xf32> to vector<1x64xf32>
    %reduce_max3A_10 = arith.constant dense<0xFF800000> : vector<1xf32>
    %reduce_max3A_11 = vector.multi_reduction <maximumf>, %reduce_max3A, %reduce_max3A_10 [1] : vector<1x64xf32> to vector<1xf32>
    %reduce_max3A_12 = vector.shape_cast %reduce_max3A_11 : vector<1xf32> to vector<1x1xf32>
    %reduce_max3A_13 = vector.extract %reduce_max3A_12[0, 0] : f32 from vector<1x1xf32>
    %exp3A = math.exp %slice3A : vector<3584x64xf32>
    %broadcast_in_dim3A = vector.shape_cast %get3A_7 : vector<64xf32> to vector<1x64xf32>
    %div3A = arith.constant 1.000000e+00 : f32
    %div3A_14 = vector.broadcast %div3A : f32 to vector<3584x64xf32>
    %div3A_15 = arith.divf %div3A_14, %exp3A : vector<3584x64xf32>
    %add3A = arith.addf %exp3A, %div3A_15 : vector<3584x64xf32>
    %mul3A = vector.broadcast %broadcast_in_dim3A : vector<1x64xf32> to vector<3584x64xf32>
    %mul3A_16 = arith.mulf %mul3A, %add3A : vector<3584x64xf32>
    %reduce_sum3A = arith.constant dense<0.000000e+00> : vector<3584xf32>
    %reduce_sum3A_17 = vector.multi_reduction <add>, %mul3A_16, %reduce_sum3A [1] : vector<3584x64xf32> to vector<3584xf32>
    %mul3A_18 = arith.constant 5.000000e-01 : f32
    %mul3A_19 = vector.broadcast %mul3A_18 : f32 to vector<3584xf32>
    %mul3A_20 = arith.mulf %mul3A_19, %reduce_sum3A_17 : vector<3584xf32>
    %log3A = math.log %mul3A_20 : vector<3584xf32>
    %add3A_21 = vector.broadcast %reduce_max3A_13 : f32 to vector<3584xf32>
    %add3A_22 = arith.addf %log3A, %add3A_21 : vector<3584xf32>
    %swap3A = arith.constant 0 : index
    %swap3A_23 = vector.load %arg3[%swap3A] : memref<3584xf32, #tpu.memory_space<vmem>>, vector<3584xf32>
    tpu.vector_store %arg3[%swap3A], %add3A_22 {strides = array<i32>} : memref<3584xf32, #tpu.memory_space<vmem>>, vector<3584xf32>,
    return
  }
}

</mosaic_0001>

<sc_bundles>
// kernel: kernel.5.cloned.1.call-start
scs
__scs_entry_jumppad:
0x0: {  	(pc) =	sbr.rel $0x88, $3  }
0x1: {  	(tag) =	ssettag $0x0;
	lr =	simm.s32 $0x1  }
0x2: {  	[smem:$0x3F9E] =	sst lr;
	_ =	strace $0xD0000000  }
0x3: {  	_ = 	snop  }
0x4: {  	_ = 	snop  }
0x5: {  	_ = 	snop  }
0x6: {  	_ = 	snop  }
0x7: {  	_ = 	snop  }
__scs_overlays_trampoline_lowered:
0x8: {  	[smem:$0x3FAD] =	sst s0  }
0x9: {  	[smem:$0x3FAE] =	sst s1  }
0xa: {  	[smem:$0x3FAF] =	sst s2  }
0xb: {  	[smem:$0x3FB0] =	sst s3  }
0xc: {  	[smem:$0x3FB1] =	sst s4  }
0xd: {  	[smem:$0x3FB2] =	sst s5  }
0xe: {  	[smem:$0x3FB3] =	sst s6  }
0xf: {  	[smem:$0x3FB4] =	sst s7  }
0x10: {  	[smem:$0x3FB5] =	sst s8  }
0x11: {  	[smem:$0x3FB6] =	sst s9;
	s0 =	simm.s32 @!p0 $0x0  }
0x12: {  	s1 =	sld [smem:$0x3F9C];
	s0 =	simm.s32 @p0 $0x1  }
0x13: {  	[smem:$0x3FB7] =	sst s0;
	s0 =	simm.s32 @!p1 $0x0  }
0x14: {  	s2 =	sld [smem:$0x3F9B];
	s0 =	simm.s32 @p1 $0x1  }
0x15: {  	[smem:$0x3FB8] =	sst s0;
	s0 =	simm.s32 @!p2 $0x0  }
0x16: {  	s3 =	sld [smem:$0x3FDB];
	s0 =	simm.s32 @p2 $0x1  }
0x17: {  	s4 =	simm.s32 $0x1BF5;
	[smem:$0x3FBA] =	sst s0  }
0x18: {  	s0 =	sld [smem:$0x3F9D];
	_ =	swait.ge [sflag:s4], $0x0  }
0x19: {  	s7 =	sld [smem:$0x3F9E]  }
0x1a: {  	s8 =	sadd.s32 $0xFFFFE003, lr  }
0x1b: {  	s9 =	sadd.s32 $0xFFFFFEF7, lr;
	s5 =	simm.s32 $0xFFFFFFFF;
	p2 =	slt.u32 s8, $0xFFFFF086  }
0x1c: {  	p1 =	slt.u32 s9, $0xF7A;
	s5 =	simm.s32 @!p2 $0x0  }
0x1d: {  	s5 =	simm.s32 @p1 $0x1;
	p0 =	seq.s32 s7, s2  }
0x1e: {  	s7 =	smul.u32 @!p0 $0xF7A, s2;
	p2 =	seq.s32 @!p0 s5, $0x0  }
0x1f: {  	s9 =	smul.u32 $0xF7A, s1;
	s8 =	simm.s32 @!p0 $0x1BF5;
	p2 =	por !p2, p0  }
0x20: {  	[sflag:s8] =	ssyncset.s32 @!p0 $0xFFFFF086;
	s6 =	sadd.s32 @!p0 s3, s7;
	s7 =	simm.s32 @!p0 $0x108  }
0x21: {  	s3 =	sadd.s32 s3, s9;
	s6 =	sadd.s32 @!p0 $0x88, s6;
	s7 =	simm.s32 @p2 $0x1082  }
0x22: {  	[simem:s7], [sflag:s8] =	dma.local @!p0 [hbm:s6], $0xF7A  }
0x23: {  	s9 =	sor.u32 $0xD0000000, s2;
	s6 =	simm.s32 $0x108;
	_ =	swait.ge @!p0 [sflag:s8], $0x0  }
0x24: {  	s3 =	sadd.s32 $0x88, s3;
	s6 =	simm.s32 @!p1 $0x1082;
	[sflag:s4] =	ssyncset.s32 $0xFFFFF086  }
0x25: {  	[simem:s6], [sflag:s4] =	dma.local [hbm:s3], $0xF7A  }
0x26: {  	[smem:$0x3F9E] =	sst s1;
	(tag) =	ssettag s2;
	_ =	strace s9  }
0x27: {  	s1 =	sld [smem:$0x3FAE]  }
0x28: {  	s2 =	sld [smem:$0x3FAF]  }
0x29: {  	s4 =	sld [smem:$0x3FB1]  }
0x2a: {  	p0 =	seq.s32 s5, $0x0;
	s5 =	sld [smem:$0x3FB2]  }
0x2b: {  	s6 =	sld [smem:$0x3FB3]  }
0x2c: {  	s7 =	sld [smem:$0x3FB4]  }
0x2d: {  	s3 =	simm.s32 $0x108;
	s8 =	sld [smem:$0x3FB5]  }
0x2e: {  	s3 =	simm.s32 @!p0 $0x1082;
	s9 =	sld [smem:$0x3FB6]  }
0x2f: {  	lr =	sadd.s32 s0, s3;
	s0 =	sld [smem:$0x3FAD]  }
0x30: {  	s3 =	sld [smem:$0x3FB0]  }
0x31: {  	[smem:$0x3FB9] =	sst s10  }
0x32: {  	s10 =	sld [smem:$0x3FB7];
	_ =	sdelay $0x3  }
0x33: {  	p0 =	seq.s32 s10, $0x1;
	s10 =	sld [smem:$0x3FB9];
	_ =	sdelay $0x3  }
0x34: {  	[smem:$0x3FB9] =	sst s10  }
0x35: {  	s10 =	sld [smem:$0x3FB8];
	_ =	sdelay $0x3  }
0x36: {  	p1 =	seq.s32 s10, $0x1;
	s10 =	sld [smem:$0x3FB9];
	_ =	sdelay $0x3  }
0x37: {  	[smem:$0x3FB9] =	sst s10  }
0x38: {  	s10 =	sld [smem:$0x3FBA]  }
0x39: {  	_ = 	snop;
	(pc) =	sbr.ind lr, $3  }
0x3a: {  	_ = 	snop  }
0x3b: {  	_ = 	snop  }
0x3c: {  	p2 =	seq.s32 s10, $0x1;
	s10 =	sld [smem:$0x3FB9]  }
0x3d: {  	_ =	shalt  }
0x3e: {  	_ =	shalt  }
0x3f: {  	_ =	shalt  }
0x40: {  	_ =	shalt  }
0x41: {  	_ =	shalt  }
0x42: {  	_ =	shalt  }
0x43: {  	_ =	shalt  }
0x44: {  	_ =	shalt  }
0x45: {  	_ =	shalt  }
0x46: {  	_ =	shalt  }
0x47: {  	_ =	shalt  }
0x48: {  	_ =	shalt  }
0x49: {  	_ =	shalt  }
0x4a: {  	_ =	shalt  }
0x4b: {  	_ =	shalt  }
0x4c: {  	_ =	shalt  }
0x4d: {  	_ =	shalt  }
0x4e: {  	_ =	shalt  }
0x4f: {  	_ =	shalt  }
0x50: {  	_ =	shalt  }
0x51: {  	_ =	shalt  }
0x52: {  	_ =	shalt  }
0x53: {  	_ =	shalt  }
0x54: {  	_ =	shalt  }
0x55: {  	_ =	shalt  }
0x56: {  	_ =	shalt  }
0x57: {  	_ =	shalt  }
0x58: {  	_ =	shalt  }
0x59: {  	_ =	shalt  }
0x5a: {  	_ =	shalt  }
0x5b: {  	_ =	shalt  }
0x5c: {  	_ =	shalt  }
0x5d: {  	_ =	shalt  }
0x5e: {  	_ =	shalt  }
0x5f: {  	_ =	shalt  }
0x60: {  	_ =	shalt  }
0x61: {  	_ =	shalt  }
0x62: {  	_ =	shalt  }
0x63: {  	_ =	shalt  }
0x64: {  	_ =	shalt  }
0x65: {  	_ =	shalt  }
0x66: {  	_ =	shalt  }
0x67: {  	_ =	shalt  }
0x68: {  	_ =	shalt  }
0x69: {  	_ =	shalt  }
0x6a: {  	_ =	shalt  }
0x6b: {  	_ =	shalt  }
0x6c: {  	_ =	shalt  }
0x6d: {  	_ =	shalt  }
0x6e: {  	_ =	shalt  }
0x6f: {  	_ =	shalt  }
0x70: {  	_ =	shalt  }
0x71: {  	_ =	shalt  }
0x72: {  	_ =	shalt  }
0x73: {  	_ =	shalt  }
0x74: {  	_ =	shalt  }
0x75: {  	_ =	shalt  }
0x76: {  	_ =	shalt  }
0x77: {  	_ =	shalt  }
0x78: {  	_ =	shalt  }
0x79: {  	_ =	shalt  }
0x7a: {  	_ =	shalt  }
0x7b: {  	_ =	shalt  }
0x7c: {  	_ =	shalt  }
0x7d: {  	_ =	shalt  }
0x7e: {  	_ =	shalt  }
0x7f: {  	_ =	shalt  }
0x80: {  	_ =	shalt  }
0x81: {  	_ =	shalt  }
0x82: {  	_ =	shalt  }
0x83: {  	_ =	shalt  }
0x84: {  	_ =	shalt  }
0x85: {  	_ =	shalt  }
0x86: {  	_ =	shalt  }
0x87: {  	_ =	shalt  }
.Lfunc_end0:
.L_simem_size_0:
called_computation_lowered:
.L_overlay_start_0:
0x88: {  	s2 =	sld [smem:$0x3FD9]  }
0x89: {  	s3 =	sld [smem:$0x3FFE];
	_ =	sdelay $0x1  }
0x8a: {  	s1 =	srdreg.scid  }
0x8b: {  	s0 =	sand.u32 $0x1, s1  }
0x8c: {  	s17 =	sshll.u32 s0, $0xA;
	s2 =	sadd.s32 s3, s2  }
0x8d: {  	s2 =	sadd.s32 s2, s17  }
0x8e: {  	[smem:$0x3FC5] =	sst s2  }
0x8f: {  	_ = 	snop  }
0x90: {  	s2 =	sld [smem:$0x3FC9]  }
0x91: {  	s18 =	sld [smem:$0x3FD0];
	(tm) =	ssettm $0x1  }
0x92: {  	s4 =	sld [smem:$0x3FFB];
	_ =	sdelay $0x3  }
0x93: {  	_ =	strace s4  }
0x94: {  	s4 =	sld [smem:$0x3FFC];
	_ =	sdelay $0x3  }
0x95: {  	_ =	strace s4  }
0x96: {  	s4 =	sld [smem:$0x3FFD];
	_ =	sdelay $0x3  }
0x97: {  	_ =	strace s4  }
0x98: {  	_ =	strace $0x8FFFFFFF  }
0x99: {  	s19 =	sld [smem:$0x3FDB];
	_ =	sdelay $0x1  }
0x9a: {  	s5 =	simm.s32 $_scs_section_size  }
0x9b: {  	s6 =	simm.s32 $_size__tile_overlayer_lowered;
	s7 =	simm.s32 $_tile_overlayer_lowered  }
0x9c: {  	s22 =	simm.s32 $0x1BFF;
	s21 =	sshll.u32 s7, $0x1;
	s4 =	sadd.s32 s5, s19  }
0x9d: {  	s8 =	simm.s32 $0x0;
	s20 =	sshll.u32 s6, $0x1;
	s6 =	sadd.s32 s21, s4  }
0x9e: {  	[timem:s8], [sflag:s22] =	dma.local [hbm:s6], s20  }
0x9f: {  	_ =	swait.ge [sflag:s22], s20  }
0xa0: {  	s5 =	ssub.s32 $0x0, s20;
	[sflag:s22] =	ssyncset.done $0x0  }
0xa1: {  	[sflag:s22] =	ssyncadd.s32 s5;
	_ =	sdelay $0x1  }
0xa2: {  	s23 =	simm.s32 $0x1B8B  }
0xa3: {  	_ =	swait.ge [sflag:s23], $0x1  }
0xa4: {  	[sflag:s23] =	ssyncset.done $0x0  }
0xa5: {  	s25 =	simm.s32 $0x1B8E;
	s24 =	sld [smem:$0x3FFE];
	[sflag:s23] =	ssyncadd.s32 $0xFFFFFFFF  }
0xa6: {  	s26 =	simm.s32 $execute0_lowered;
	[smem:$0x3FD2] =	sst s25  }
0xa7: {  	s6 =	sshll.u32 s26, $0x1;
	_ =	strace $0x80000046;
	[dreg:$0x1] =	wrdreg $0xFFFFFFFF  }
0xa8: {  	s28 =	simm.s32 $_size_execute0_lowered;
	s4 =	sadd.s32 s4, s6;
	[dreg:$0x0] =	wrdreg $0x0  }
0xa9: {  	s6 =	sshll.u32 s28, $0x1;
	[dreg:$0x2] =	wrdreg s4  }
0xaa: {  	[dreg:$0x3] =	wrdreg s6  }
0xab: {  	[dreg:$0x4] =	wrdreg $0xC0  }
0xac: {  	_ =	task [dreg:s8], $0x5FFFF  }
0xad: {  	[dreg:$0x1] =	wrdreg $0xFFFFFFFF  }
0xae: {  	[dreg:$0x0] =	wrdreg $0x60  }
0xaf: {  	[dreg:$0x2] =	wrdreg s2  }
0xb0: {  	[dreg:$0x3] =	wrdreg s24  }
0xb1: {  	[dreg:$0x4] =	wrdreg s18  }
0xb2: {  	[dreg:$0x5] =	wrdreg $0x9  }
0xb3: {  	_ =	task.clear_ibuf [dreg:s8], $0x6FFFF;
	_ =	strace $0x90000046  }
0xb4: {  	s29 =	simm.s32 $0x9;
	_ =	strace $0x80000048  }
0xb5: {  	_ =	swait.ge [sflag:s29], $0x1  }
0xb6: {  	[sflag:s29] =	ssyncadd.s32 $0xFFFFFFFF  }
0xb7: {  	_ =	strace $0x90000048  }
0xb8: {  	_ =	sfence  }
0xb9: {  	s30 =	sld [smem:$0x0];
	_ =	sdelay $0x2  }
0xba: {  	s31 =	sshll.u32 s1, $0xD;
	s1 =	sshrl.u32 s1, $0x2  }
0xbb: {  	s3 =	sand.u32 $0x4000, s31;
	s1 =	sadd.s32 s1, s30  }
0xbc: {  	s0 =	sor.u32 s3, s0;
	s1 =	sshll.u32 s1, $0x11  }
0xbd: {  	s0 =	sor.u32 s1, s0  }
0xbe: {  	s0 =	sadd.s32 $0x8F2B, s0  }
0xbf: {  	[sflag:s0] =	ssyncadd.remote.s32 $0x1  }
0xc0: {  	_ =	sfence.sel $0xFFFF  }
0xc1: {  	[dreg:$0x0] =	wrdreg $0xFFFFFFFF;
	(pc) =	sbr.abs _section_cstart, $3  }
0xc2: {  	[dreg:$0x1] =	wrdreg $0xFFFFFFFF  }
0xc3: {  	_ =	task.clear_ibuf [dreg:s8], $0x2FFFF;
	_ =	strace $0x9FFFFFFF  }
0xc4: {  	(tm) =	ssettm $0x7FFFFFFF  }
0xc5: {  	_ =	shalt  }
tec
execute0_lowered:
.L_overlay_start_1:
0x0: {  	(tag) =	ssettag $0x1  }
0x1: {  	s5 =	rddreg [dreg:$0x0]  }
0x2: {  	s6 =	rddreg [dreg:$0x1]  }
0x3: {  	s1 =	rddreg [dreg:$0x2]  }
0x4: {  	s0 =	rddreg [dreg:$0x3];
	s3 =	simm.s32 $0x0;
	s2 =	stileid.u32  }
0x5: {  	s7 =	srdreg.scid;
	s11 =	simm.s32 $0x1;
	s12 =	simm.s32 $0x3200  }
0x6: {  	s13 =	simm.s32 $0x4B00;
	s14 =	simm.s32 $0x4B80;
	s15 =	simm.s32 $0x0  }
0x7: {  	[smem:$0x7FF] =	sst s3;
	s4 =	sadd.s32 $0xA00, s6;
	s7 =	sand.u32 $0x1, s7  }
0x8: {  	s8 =	sshll.u32 s2, $0x1;
	s9 =	sand.u32 $0xE, s2;
	s31 =	sshll.u32 s2, $0x3  }
0x9: {  	_ =	strace $0x80000047;
	s10 =	ssub.s32 $0x2, s7;
	s8 =	sand.u32 $0x2, s8  }
0xa: {  	s9 =	sadd.s32 s9, s6;
	s29 =	sshrl.u32 s10, $0x1;
	s7 =	sor.u32 s7, s8  }
0xb: {  	s6 =	sand.u32 $0x70, s31;
	s30 =	ssub.s32 s10, s29;
	s7 =	sshll.u32 s7, $0x4  }
0xc: {  	s10 =	simm.s32 $0x1000;
	s5 =	sadd.s32 s5, s7;
	s7 =	sadd.s32 s7, s9  }
0xd: {  	v0 =	vimm.s32 $0x0;
	s8 =	smax.u32 s30, $0x1;
	s9 =	simm.s32 $0x80;
	s7 =	sadd.s32 $0xE00, s7  }
.LBB2_1:
0xe: {  	[tilespmem:s3], [sflag:$0x1] =	stream.strided.gather [hbm4b:s5+s9], $0x3200, s10, s9, $0x38;
	[tilespmem:$0x4B90] =	vst v63  }
0xf: {  	_ =	swait.ge [sflag:s11], $0x3200  }
0x10: {  	[sflag:s11] =	ssyncset.done $0x0  }
0x11: {  	[sflag:s11] =	ssyncadd.s32 $0xFFFFCE00  }
0x12: {  	[tilespmem:s12], [sflag:$0x1] =	stream.linear.gather [hbm4b:s4+s3], $0x1900, $0x38;
	[tilespmem:$0x4B90] =	vst v63  }
0x13: {  	_ =	swait.ge [sflag:s11], $0x1900  }
0x14: {  	[sflag:s11] =	ssyncset.done $0x0  }
0x15: {  	[sflag:s11] =	ssyncadd.s32 $0xFFFFE700  }
0x16: {  	[tilespmem:s13], [sflag:$0x1] =	stream.linear.gather [hbm4b:s1+s3], $0x80, $0x38;
	[tilespmem:$0x4B90] =	vst v63  }
0x17: {  	_ =	swait.ge [sflag:s11], $0x80  }
0x18: {  	[sflag:s11] =	ssyncset.done $0x0  }
0x19: {  	[sflag:s11] =	ssyncadd.s32 $0xFFFFFF80  }
0x1a: {  	v2 =	vimm.f32 $0.0e+00;
	s16 =	simm.s32 $0x0;
	v3 =	vimm.f32 $0.0e+00;
	s17 =	simm.s32 $0x0;
	v1 =	vld [tilespmem:$0x4B40]  }
.LBB2_2:
0x1b: {  	s18 =	sand.u32 $0x3FFFFFF0, s16  }
0x1c: {  	s18 =	sadd.s32 $0x3200, s18  }
0x1d: {  	v9 =	vmov s18;
	_ =	sdelay $0x3  }
0x1e: {  	s29 =	simm.s32 $0x0  }
0x1f: {  	v6 =	vld.idx.msk [tilespmem:v9+s29+$0x0 ss:$0x1], $0xffff;
	_ =	sdelay $0x1  }
0x20: {  	s30 =	sshll.u32 s17, $0x2;
	v10 =	vld [tilespmem:s6+$0x0]  }
0x21: {  	s19 =	sand.u32 $0xC, s30  }
0x22: {  	v8 =	vmov s19;
	s20 =	sor.u32 $0x1, s19;
	s21 =	sor.u32 $0x3, s19  }
0x23: {  	s19 =	sor.u32 $0x2, s19;
	v7 =	vmov s20;
	v4 =	vmov s21;
	v11 =	vperm.xlane v6, v8  }
0x24: {  	s31 =	simm.s32 $0x40;
	v5 =	vmov s19;
	v12 =	vperm.xlane v6, v4;
	v13 =	vperm.xlane v6, v7  }
0x25: {  	s18 =	sand.u32 $0x30, s30;
	v14 =	vperm.xlane v6, v5;
	v15 =	vmul.f32 v10, v11;
	v11 =	vld.idx.msk [tilespmem:v9+s31+$0x0 ss:$0x1], $0xffff  }
0x26: {  	v6 =	vld [tilespmem:s18+$0x4B00];
	s18 =	sadd.s32 $0x80, s6;
	v18 =	vmul.f32 v10, v12  }
0x27: {  	v17 =	vmul.f32 v10, v13;
	v16 =	vmul.f32 v10, v14;
	v12 =	vld [tilespmem:s18+$0x0];
	v13 =	vimm.f32 $0.0e+00  }
0x28: {  	s19 =	simm.s32 $0x200;
	v14 =	vadd.f32 v15, v2;
	v10 =	vadd.f32 v18, v2;
	v15 =	vimm.f32 $0.0e+00  }
.LBB2_3:
0x29: {  	s20 =	sshra.s32 s19, $0x2;
	p0 =	sne.s32 s19, $0x6300;
	s19 =	sadd.s32 $0x100, s19;
	v15 =	vadd.f32 v17, v15;
	v13 =	vadd.f32 v16, v13  }
.Ltmp0:
0x2a: {  	v16 =	vperm.xlane v11, v8;
	v17 =	vperm.xlane v11, v4;
	v18 =	vmov v11;
	v11 =	vld.idx.msk [tilespmem:v9+s20+$0x0 ss:$0x1], $0xffff;
	(pc) =	sbr.rel @p0 .LBB2_3-.Ltmp0, $4  }
0x2b: {  	v19 =	vperm.xlane v18, v7;
	v18 =	vperm.xlane v18, v5  }
0x2c: {  	s18 =	sadd.s32 $0x80, s18;
	v20 =	vmul.f32 v12, v16;
	v21 =	vmul.f32 v12, v17  }
0x2d: {  	v17 =	vmul.f32 v12, v19;
	v16 =	vmul.f32 v12, v18;
	v12 =	vld [tilespmem:s18+$0x0]  }
0x2e: {  	v14 =	vadd.f32 v20, v14;
	v10 =	vadd.f32 v21, v10  }
0x2f: {  	_ = 	snop  }
0x30: {  	v9 =	vperm.xlane v11, v8;
	_ =	sdelay $0x1  }
0x31: {  	v18 =	vperm.xlane v11, v7;
	v9 =	vmul.f32 v12, v9  }
0x32: {  	v15 =	vadd.f32 v17, v15  }
0x33: {  	v40 =	vperm.xlane v11, v5;
	v39 =	vmul.f32 v12, v18;
	v9 =	vadd.f32 v9, v14  }
0x34: {  	v41 =	vperm.xlane v11, v4;
	v13 =	vadd.f32 v16, v13  }
0x35: {  	v15 =	vadd.f32 v39, v15;
	v14 =	vmul.f32 v12, v40;
	v42 =	vsub.f32 $0.0e+00, v9  }
0x36: {  	v11 =	vmul.f32 v12, v41;
	v9 =	vmul.f32 $1.442695020e+00, v9  }
0x37: {  	v44 =	vsub.f32 $0.0e+00, v15;
	v13 =	vadd.f32 v14, v13;
	v43 =	vmul.f32 $1.442695020e+00, v42  }
0x38: {  	v10 =	vadd.f32 v11, v10;
	v45 =	vmul.f32 $1.442695020e+00, v15;
	(erf) = vpow2.f32 v9  }
0x39: {  	v46 =	vmul.f32 $1.442695020e+00, v44;
	v47 =	vsub.f32 $0.0e+00, v13;
	(erf) = vpow2.f32 v43  }
0x3a: {  	v48 =	vmul.f32 $1.442695020e+00, v13;
	(erf) = vpow2.f32 v45  }
0x3b: {  	v49 =	vsub.f32 $0.0e+00, v10;
	v9 =	vmul.f32 $1.442695020e+00, v47;
	(erf) = vpow2.f32 v46  }
0x3c: {  	v10 =	vmul.f32 $1.442695020e+00, v10;
	(erf) = vpow2.f32 v48  }
0x3d: {  	v50 =	vmul.f32 $1.442695020e+00, v49;
	(erf) = vpow2.f32 v9  }
0x3e: {  	(erf) = vpow2.f32 v10  }
0x3f: {  	(erf) = vpow2.f32 v50;
	_ =	sdelay $0x1  }
0x40: {  	v51 =	vpop (erf)  }
0x41: {  	v52 =	vpop (erf)  }
0x42: {  	v54 =	vperm.xlane v6, v8;
	v53 =	vpop (erf);
	v9 =	vadd.f32 v52, v51  }
0x43: {  	v55 =	vpop (erf)  }
0x44: {  	v56 =	vperm.xlane v6, v7;
	v8 =	vmul.f32 v54, v9;
	v57 =	vadd.f32 v55, v53;
	v58 =	vpop (erf)  }
0x45: {  	v5 =	vperm.xlane v6, v5;
	v59 =	vpop (erf)  }
0x46: {  	s17 =	sadd.s32 $0x1, s17;
	v3 =	vadd.f32 v8, v3;
	v7 =	vmul.f32 v56, v57;
	v60 =	vpop (erf);
	v61 =	vadd.f32 v59, v58  }
0x47: {  	v4 =	vperm.xlane v6, v4;
	p0 =	sne.s32 s17, $0x10;
	v62 =	vpop (erf)  }
.Ltmp1:
0x48: {  	v3 =	vadd.f32 v7, v3;
	v5 =	vmul.f32 v5, v61;
	v63 =	vadd.f32 v62, v60;
	(pc) =	sbr.rel @p0 .LBB2_2-.Ltmp1, $3  }
0x49: {  	_ = 	snop  }
0x4a: {  	v3 =	vadd.f32 v5, v3;
	v4 =	vmul.f32 v4, v63;
	_ =	sdelay $0x1  }
0x4b: {  	s16 =	sadd.s32 $0x4, s16;
	v3 =	vadd.f32 v4, v3  }
0x4c: {  	_ = 	snop  }
0x4d: {  	v2 =	vmul.f32 $5.000000000e-01, v3;
	_ =	sdelay $0x1  }
0x4e: {  	v3 =	vand.u32 $0x7FFFFF, v2  }
0x4f: {  	v3 =	vor.u32 $0x3F800000, v3  }
0x50: {  	v4 =	vmul.f32 $5.000000000e-01, v3  }
0x51: {  	vm0 =	vgt.f32 v3, $1.333333370e+00  }
0x52: {  	v3 =	vsel vm0, v4, v3  }
0x53: {  	v3 =	vadd.f32 $-1.000000000e+00, v3;
	_ =	sdelay $0x1  }
0x54: {  	v63 =	vmul.f32 $-1.250000000e-01, v3;
	_ =	sdelay $0x1  }
0x55: {  	v4 =	vadd.f32 $1.428571490e-01, v63;
	_ =	sdelay $0x1  }
0x56: {  	v4 =	vmul.f32 v4, v3;
	_ =	sdelay $0x1  }
0x57: {  	v4 =	vadd.f32 $-1.666666720e-01, v4;
	_ =	sdelay $0x1  }
0x58: {  	v4 =	vmul.f32 v4, v3;
	_ =	sdelay $0x1  }
0x59: {  	v4 =	vadd.f32 $2.000000030e-01, v4;
	_ =	sdelay $0x1  }
0x5a: {  	v4 =	vmul.f32 v4, v3;
	_ =	sdelay $0x1  }
0x5b: {  	v4 =	vadd.f32 $-2.500000000e-01, v4;
	_ =	sdelay $0x1  }
0x5c: {  	v4 =	vmul.f32 v4, v3;
	_ =	sdelay $0x1  }
0x5d: {  	v4 =	vadd.f32 $3.333333430e-01, v4;
	_ =	sdelay $0x1  }
0x5e: {  	v4 =	vmul.f32 v4, v3;
	_ =	sdelay $0x1  }
0x5f: {  	v4 =	vadd.f32 $-5.000000000e-01, v4  }
0x60: {  	v2 =	vshrl.u32 v2, $0x17;
	v5 =	vsel vm0, $0x1, v0  }
0x61: {  	v2 =	vadd.s32 v5, v2;
	v4 =	vmul.f32 v4, v3  }
0x62: {  	v2 =	vadd.s32 $0xFFFFFF81, v2  }
0x63: {  	v2 =	vcvt.s32.f32 v2;
	v4 =	vadd.f32 $1.000000000e+00, v4;
	_ =	sdelay $0x1  }
0x64: {  	v2 =	vmul.f32 $6.931471820e-01, v2;
	v3 =	vmul.f32 v4, v3;
	_ =	sdelay $0x1  }
0x65: {  	v2 =	vadd.f32 v3, v2;
	_ =	sdelay $0x1  }
0x66: {  	s15 =	sadd.s32 $0x1, s15;
	v1 =	vadd.f32 v2, v1  }
0x67: {  	p0 =	sne.s32 s15, s8  }
.Ltmp2:
0x68: {  	[tilespmem:$0x4B80] =	vst v1;
	(pc) =	sbr.rel @p0 .LBB2_1-.Ltmp2, $4  }
0x69: {  	[hbm4b:s7+s3] =	stream.linear.scatter [tilespmem:s14], [sflag:$0x1], $0x10, $0x38;
	[tilespmem:$0x4B90] =	vst v63  }
0x6a: {  	_ =	swait.ge [sflag:s11], $0x10  }
0x6b: {  	[sflag:s11] =	ssyncset.done $0x0  }
0x6c: {  	[sflag:s11] =	ssyncadd.s32 $0xFFFFFFF0  }
0x6d: {  	_ =	sfence.sel $0x180000  }
0x6e: {  	[bflag:$0x0] =	sbarrier.arrive $0xFFFF  }
0x6f: {  	p0 =	sne.s32 s2, $0x0;
	_ =	strace $0x90000047  }
0x70: {  	s0 =	sadd.s32 @!p0 $0x100000, s0;
	[bflag:$0x2] =	sbarrier.arrive $0xFFFF  }
0x71: {  	[sflag:s0] =	ssyncadd.tile.s32 @!p0 $0x1;
	_ =	shalt  }
.Lfunc_end2:
_tile_overlayer_lowered:
.L_overlay_start_2:
0x72: {  	(tag) =	ssettag $0x2  }
0x73: {  	s0 =	rddreg [dreg:$0x0];
	s2 =	stileid.u32  }
0x74: {  	s1 =	rddreg [dreg:$0x1];
	p0 =	sne.s32 s2, $0x0  }
0x75: {  	s3 =	rddreg [dreg:$0x2];
	[bflag:$0x3] =	sbarrier.arrive $0xFFFF;
	s2 =	simm.s32 @!p0 $0x1C01  }
0x76: {  	[timem:s3], [sflag:s2] =	dma.local @!p0 [hbm:s0], s1  }
0x77: {  	s0 =	simm.s32 @!p0 $0x1  }
0x78: {  	_ =	swait.ge @!p0 [sflag:s0], s1  }
0x79: {  	s1 =	ssub.s32 @!p0 $0x0, s1;
	[sflag:s0] =	ssyncset.done @!p0 $0x0  }
0x7a: {  	[sflag:s0] =	ssyncadd.s32 @!p0 s1  }
0x7b: {  	[bflag:$0x3] =	sbarrier.arrive $0xFFFF  }
0x7c: {  	_ =	shalt  }

</sc_bundles>
